<compile_context>
chip_gen: v7x
topology: tpu7x:2x2x1
jax: 0.10.2.dev20260603
libtpu: 0.0.44.dev20260713+nightly
codegen_flags: <defaults>
</compile_context>

<pallas_src>
import jax
import jax.numpy as jnp
from jax import lax
from jax.experimental import pallas as pl
from jax.experimental.pallas import tpu as pltpu
from jax.experimental.pallas import tpu_sc as plsc

ENT = 1_000_000
BATCH = 16384
DIM = 64
_INFO = plsc.get_sparse_core_info()
NC, NS, NL = _INFO.num_cores, _INFO.num_subcores, _INFO.num_lanes
NW = NC * NS
B_PER_W = BATCH // NW
IDX_CHUNK = 128
N_CHUNKS = B_PER_W // IDX_CHUNK

COLSUM_BLOCK = 32768


def _colsum_body(x_ref, o_ref):
    o_ref[...] = -jnp.sum(x_ref[...], axis=0)


def _gather_body(colsum_hbm, idx_hbm, out_hbm, idx_v, vals_v, sem):
    wid = lax.axis_index("s") * NC + lax.axis_index("c")
    base = wid * B_PER_W

    for j in range(N_CHUNKS):
        pltpu.sync_copy(idx_hbm.at[pl.ds(base + j * IDX_CHUNK, IDX_CHUNK)],
                        idx_v.at[j])

    copies = []
    for j in range(N_CHUNKS):
        copies.append(pltpu.async_copy(
            colsum_hbm.at[idx_v.at[j]],
            vals_v.at[pl.ds(j * IDX_CHUNK, IDX_CHUNK)],
            sem))
    for c in copies:
        c.wait()

    pltpu.sync_copy(vals_v, out_hbm.at[pl.ds(base, B_PER_W)])


@jax.jit
def _score(ent_embeddings, batch_h):
    table_t = ent_embeddings.T

    colsum = pl.pallas_call(
        _colsum_body,
        out_shape=jax.ShapeDtypeStruct((ENT,), jnp.float32),
        grid=(pl.cdiv(ENT, COLSUM_BLOCK),),
        in_specs=[pl.BlockSpec((DIM, COLSUM_BLOCK), lambda i: (0, i))],
        out_specs=pl.BlockSpec((COLSUM_BLOCK,), lambda i: (i,)),
    )(table_t)

    mesh = plsc.VectorSubcoreMesh(core_axis_name="c", subcore_axis_name="s")
    run = pl.kernel(
        _gather_body,
        out_type=jax.ShapeDtypeStruct((BATCH,), jnp.float32),
        mesh=mesh,
        scratch_types=[
            pltpu.VMEM((N_CHUNKS, IDX_CHUNK), jnp.int32),
            pltpu.VMEM((B_PER_W,), jnp.float32),
            pltpu.SemaphoreType.DMA,
        ],
    )
    return run(colsum, batch_h)


def kernel(ent_embeddings, rel_matrices, batch_h, batch_t, batch_r):
    return _score(ent_embeddings, batch_h)

# --- scband reference (transcript-rebuilt; emitter-appended) ---
"""Pipeline reference for scband-rescalsynergy-28303834481231 (READ-ONLY COPY).

The authoritative reference and input builder live on the scoring server;
editing this copy changes nothing except your own understanding.
"""

import jax, jax.numpy as jnp
import numpy as np

ENT_TOT = 1000000
REL_TOT = 1000
DIM = 64
BATCH = 16384


def setup_inputs(seed: int = 0) -> dict:
    key = jax.random.key(seed)
    k1, k2, k3, k4, k5 = jax.random.split(key, 5)
    batch_h = jax.random.randint(k1, (BATCH,), 0, ENT_TOT, dtype=jnp.int64 if jax.config.jax_enable_x64 else jnp.int32).astype(jnp.int32)
    batch_t = jax.random.randint(k2, (BATCH,), 0, ENT_TOT).astype(jnp.int32)
    batch_r = jax.random.randint(k3, (BATCH,), 0, REL_TOT).astype(jnp.int32)
    # xavier_uniform init for entity embedding table [ent_tot, dim]
    bound_e = float(np.sqrt(6.0 / (ENT_TOT + DIM)))
    ent_embeddings = jax.random.uniform(k4, (ENT_TOT, DIM), minval=-bound_e, maxval=bound_e, dtype=jnp.float32)
    # relation matrices stored as embedding table [rel_tot, dim*dim]
    bound_r = float(np.sqrt(6.0 / (REL_TOT + DIM * DIM)))
    rel_matrices = jax.random.uniform(k5, (REL_TOT, DIM * DIM), minval=-bound_r, maxval=bound_r, dtype=jnp.float32)
    return {
        "ent_embeddings": ent_embeddings,
        "rel_matrices": rel_matrices,
        "batch_h": batch_h,
        "batch_t": batch_t,
        "batch_r": batch_r,
    }


def reference(ent_embeddings, rel_matrices, batch_h, batch_t, batch_r):
    # get_hrt: embedding lookups
    h = jnp.take(ent_embeddings, batch_h, axis=0)
    t = jnp.take(ent_embeddings, batch_t, axis=0)
    r = jnp.take(rel_matrices, batch_r, axis=0)
    # _calc: faithful to original (tr computed then overwritten with scalar 1)
    t_ = t.reshape(-1, DIM, 1)
    r_ = r.reshape(-1, DIM, DIM)
    tr = jnp.matmul(r_, t_)
    tr = tr.reshape(-1, DIM)
    tr = 1  # original module overwrites tr with the scalar 1
    score = -jnp.sum(h * tr, -1)
    return score

if __name__ == "__main__":
    import jax
    _d = setup_inputs()
    print(jax.jit(kernel)(*tuple(_d.values())))

</pallas_src>

<mosaic_0001>
#map = affine_map<(d0, d1) -> (0)>
module attributes {stable_mosaic.version = 14 : i64} {
  func.func @_gather_body(%arg0: i32, %arg1: i32, %arg2: memref<1000000xf32, #tpu.memory_space<hbm>>, %arg3: memref<16384xi32, #tpu.memory_space<hbm>>, %arg4: memref<16384xf32, #tpu.memory_space<hbm>>, %arg5: memref<4x128xi32, #tpu.memory_space<vmem>>, %arg6: memref<512xf32, #tpu.memory_space<vmem>>, %arg7: memref<!tpu.dma_semaphore, #tpu.memory_space<semaphore_mem>>) attributes {dimension_semantics = [#tpu.dimension_semantics<core_parallel>, #tpu.dimension_semantics<subcore_parallel>], iteration_bounds = array<i64: 2, 16>, scalar_prefetch = 0 : i64, scratch_operands = 3 : i64, tpu.core_type = #tpu.core_type<sc_vector_subcore>, window_params = [{transform_indices = #map}, {transform_indices = #map}, {transform_indices = #map}]} {
    %mul3A = arith.constant 2 : i32
    %mul3A_0 = arith.muli %arg1, %mul3A : i32
    %add3A = arith.addi %mul3A_0, %arg0 : i32
    %mul3A_1 = arith.constant 512 : i32
    %mul3A_2 = arith.muli %add3A, %mul3A_1 : i32
    %add3A_3 = arith.constant 0 : i32
    %add3A_4 = arith.addi %mul3A_2, %add3A_3 : i32
    %run_scoped3A = arith.constant 0 : i32
    "tpu.region"() ({
      %run_scoped3A_76 = tpu.sem_alloc : memref<!tpu.dma_semaphore, #tpu.memory_space<semaphore_mem>>
      %dma_start3A_77 = arith.constant 0 : i32
      %dma_start3A_78 = tpu.memref_slice %arg5[%run_scoped3A, %dma_start3A_77] : memref<4x128xi32, #tpu.memory_space<vmem>> -> memref<1x128xi32, #tpu.memory_space<vmem>>
      %dma_start3A_79 = tpu.memref_squeeze %dma_start3A_78 : memref<1x128xi32, #tpu.memory_space<vmem>> -> memref<128xi32, #tpu.memory_space<vmem>>
      %dma_start3A_80 = tpu.memref_slice %arg3[%add3A_4] : memref<16384xi32, #tpu.memory_space<hbm>> -> memref<128xi32, #tpu.memory_space<hbm>>
      %dma_start3A_81 = arith.constant 0 : i32
      %dma_start3A_82 = tpu.memref_slice %arg5[%run_scoped3A, %dma_start3A_81] : memref<4x128xi32, #tpu.memory_space<vmem>> -> memref<1x128xi32, #tpu.memory_space<vmem>>
      %dma_start3A_83 = tpu.memref_squeeze %dma_start3A_82 : memref<1x128xi32, #tpu.memory_space<vmem>> -> memref<128xi32, #tpu.memory_space<vmem>>
      %dma_start3A_84 = tpu.memref_slice %arg3[%add3A_4] : memref<16384xi32, #tpu.memory_space<hbm>> -> memref<128xi32, #tpu.memory_space<hbm>>
      tpu.enqueue_dma source(%dma_start3A_84 : memref<128xi32, #tpu.memory_space<hbm>>) target(%dma_start3A_83 : memref<128xi32, #tpu.memory_space<vmem>>) target_semaphore(%run_scoped3A_76 : memref<!tpu.dma_semaphore, #tpu.memory_space<semaphore_mem>>)
      %dma_wait3A_85 = arith.constant 0 : i32
      %dma_wait3A_86 = tpu.memref_slice %arg5[%run_scoped3A, %dma_wait3A_85] : memref<4x128xi32, #tpu.memory_space<vmem>> -> memref<1x128xi32, #tpu.memory_space<vmem>>
      %dma_wait3A_87 = tpu.memref_squeeze %dma_wait3A_86 : memref<1x128xi32, #tpu.memory_space<vmem>> -> memref<128xi32, #tpu.memory_space<vmem>>
      %dma_wait3A_88 = tpu.memref_slice %arg3[%add3A_4] : memref<16384xi32, #tpu.memory_space<hbm>> -> memref<128xi32, #tpu.memory_space<hbm>>
      %dma_wait3A_89 = arith.constant 0 : i32
      %dma_wait3A_90 = tpu.memref_slice %arg5[%run_scoped3A, %dma_wait3A_89] : memref<4x128xi32, #tpu.memory_space<vmem>> -> memref<1x128xi32, #tpu.memory_space<vmem>>
      %dma_wait3A_91 = tpu.memref_squeeze %dma_wait3A_90 : memref<1x128xi32, #tpu.memory_space<vmem>> -> memref<128xi32, #tpu.memory_space<vmem>>
      %dma_wait3A_92 = tpu.memref_slice %arg3[%add3A_4] : memref<16384xi32, #tpu.memory_space<hbm>> -> memref<128xi32, #tpu.memory_space<hbm>>
      tpu.wait_dma2 semaphore(%run_scoped3A_76 : memref<!tpu.dma_semaphore, #tpu.memory_space<semaphore_mem>>) src(%dma_wait3A_92 : memref<128xi32, #tpu.memory_space<hbm>>) dst(%dma_wait3A_91 : memref<128xi32, #tpu.memory_space<vmem>>)
      tpu.yield
    }) : () -> ()
    %add3A_5 = arith.constant 128 : i32
    %add3A_6 = arith.addi %mul3A_2, %add3A_5 : i32
    %run_scoped3A_7 = arith.constant 1 : i32
    "tpu.region"() ({
      %run_scoped3A_76 = tpu.sem_alloc : memref<!tpu.dma_semaphore, #tpu.memory_space<semaphore_mem>>
      %dma_start3A_77 = arith.constant 0 : i32
      %dma_start3A_78 = tpu.memref_slice %arg5[%run_scoped3A_7, %dma_start3A_77] : memref<4x128xi32, #tpu.memory_space<vmem>> -> memref<1x128xi32, #tpu.memory_space<vmem>>
      %dma_start3A_79 = tpu.memref_squeeze %dma_start3A_78 : memref<1x128xi32, #tpu.memory_space<vmem>> -> memref<128xi32, #tpu.memory_space<vmem>>
      %dma_start3A_80 = tpu.memref_slice %arg3[%add3A_6] : memref<16384xi32, #tpu.memory_space<hbm>> -> memref<128xi32, #tpu.memory_space<hbm>>
      %dma_start3A_81 = arith.constant 0 : i32
      %dma_start3A_82 = tpu.memref_slice %arg5[%run_scoped3A_7, %dma_start3A_81] : memref<4x128xi32, #tpu.memory_space<vmem>> -> memref<1x128xi32, #tpu.memory_space<vmem>>
      %dma_start3A_83 = tpu.memref_squeeze %dma_start3A_82 : memref<1x128xi32, #tpu.memory_space<vmem>> -> memref<128xi32, #tpu.memory_space<vmem>>
      %dma_start3A_84 = tpu.memref_slice %arg3[%add3A_6] : memref<16384xi32, #tpu.memory_space<hbm>> -> memref<128xi32, #tpu.memory_space<hbm>>
      tpu.enqueue_dma source(%dma_start3A_84 : memref<128xi32, #tpu.memory_space<hbm>>) target(%dma_start3A_83 : memref<128xi32, #tpu.memory_space<vmem>>) target_semaphore(%run_scoped3A_76 : memref<!tpu.dma_semaphore, #tpu.memory_space<semaphore_mem>>)
      %dma_wait3A_85 = arith.constant 0 : i32
      %dma_wait3A_86 = tpu.memref_slice %arg5[%run_scoped3A_7, %dma_wait3A_85] : memref<4x128xi32, #tpu.memory_space<vmem>> -> memref<1x128xi32, #tpu.memory_space<vmem>>
      %dma_wait3A_87 = tpu.memref_squeeze %dma_wait3A_86 : memref<1x128xi32, #tpu.memory_space<vmem>> -> memref<128xi32, #tpu.memory_space<vmem>>
      %dma_wait3A_88 = tpu.memref_slice %arg3[%add3A_6] : memref<16384xi32, #tpu.memory_space<hbm>> -> memref<128xi32, #tpu.memory_space<hbm>>
      %dma_wait3A_89 = arith.constant 0 : i32
      %dma_wait3A_90 = tpu.memref_slice %arg5[%run_scoped3A_7, %dma_wait3A_89] : memref<4x128xi32, #tpu.memory_space<vmem>> -> memref<1x128xi32, #tpu.memory_space<vmem>>
      %dma_wait3A_91 = tpu.memref_squeeze %dma_wait3A_90 : memref<1x128xi32, #tpu.memory_space<vmem>> -> memref<128xi32, #tpu.memory_space<vmem>>
      %dma_wait3A_92 = tpu.memref_slice %arg3[%add3A_6] : memref<16384xi32, #tpu.memory_space<hbm>> -> memref<128xi32, #tpu.memory_space<hbm>>
      tpu.wait_dma2 semaphore(%run_scoped3A_76 : memref<!tpu.dma_semaphore, #tpu.memory_space<semaphore_mem>>) src(%dma_wait3A_92 : memref<128xi32, #tpu.memory_space<hbm>>) dst(%dma_wait3A_91 : memref<128xi32, #tpu.memory_space<vmem>>)
      tpu.yield
    }) : () -> ()
    %add3A_8 = arith.constant 256 : i32
    %add3A_9 = arith.addi %mul3A_2, %add3A_8 : i32
    %run_scoped3A_10 = arith.constant 2 : i32
    "tpu.region"() ({
      %run_scoped3A_76 = tpu.sem_alloc : memref<!tpu.dma_semaphore, #tpu.memory_space<semaphore_mem>>
      %dma_start3A_77 = arith.constant 0 : i32
      %dma_start3A_78 = tpu.memref_slice %arg5[%run_scoped3A_10, %dma_start3A_77] : memref<4x128xi32, #tpu.memory_space<vmem>> -> memref<1x128xi32, #tpu.memory_space<vmem>>
      %dma_start3A_79 = tpu.memref_squeeze %dma_start3A_78 : memref<1x128xi32, #tpu.memory_space<vmem>> -> memref<128xi32, #tpu.memory_space<vmem>>
      %dma_start3A_80 = tpu.memref_slice %arg3[%add3A_9] : memref<16384xi32, #tpu.memory_space<hbm>> -> memref<128xi32, #tpu.memory_space<hbm>>
      %dma_start3A_81 = arith.constant 0 : i32
      %dma_start3A_82 = tpu.memref_slice %arg5[%run_scoped3A_10, %dma_start3A_81] : memref<4x128xi32, #tpu.memory_space<vmem>> -> memref<1x128xi32, #tpu.memory_space<vmem>>
      %dma_start3A_83 = tpu.memref_squeeze %dma_start3A_82 : memref<1x128xi32, #tpu.memory_space<vmem>> -> memref<128xi32, #tpu.memory_space<vmem>>
      %dma_start3A_84 = tpu.memref_slice %arg3[%add3A_9] : memref<16384xi32, #tpu.memory_space<hbm>> -> memref<128xi32, #tpu.memory_space<hbm>>
      tpu.enqueue_dma source(%dma_start3A_84 : memref<128xi32, #tpu.memory_space<hbm>>) target(%dma_start3A_83 : memref<128xi32, #tpu.memory_space<vmem>>) target_semaphore(%run_scoped3A_76 : memref<!tpu.dma_semaphore, #tpu.memory_space<semaphore_mem>>)
      %dma_wait3A_85 = arith.constant 0 : i32
      %dma_wait3A_86 = tpu.memref_slice %arg5[%run_scoped3A_10, %dma_wait3A_85] : memref<4x128xi32, #tpu.memory_space<vmem>> -> memref<1x128xi32, #tpu.memory_space<vmem>>
      %dma_wait3A_87 = tpu.memref_squeeze %dma_wait3A_86 : memref<1x128xi32, #tpu.memory_space<vmem>> -> memref<128xi32, #tpu.memory_space<vmem>>
      %dma_wait3A_88 = tpu.memref_slice %arg3[%add3A_9] : memref<16384xi32, #tpu.memory_space<hbm>> -> memref<128xi32, #tpu.memory_space<hbm>>
      %dma_wait3A_89 = arith.constant 0 : i32
      %dma_wait3A_90 = tpu.memref_slice %arg5[%run_scoped3A_10, %dma_wait3A_89] : memref<4x128xi32, #tpu.memory_space<vmem>> -> memref<1x128xi32, #tpu.memory_space<vmem>>
      %dma_wait3A_91 = tpu.memref_squeeze %dma_wait3A_90 : memref<1x128xi32, #tpu.memory_space<vmem>> -> memref<128xi32, #tpu.memory_space<vmem>>
      %dma_wait3A_92 = tpu.memref_slice %arg3[%add3A_9] : memref<16384xi32, #tpu.memory_space<hbm>> -> memref<128xi32, #tpu.memory_space<hbm>>
      tpu.wait_dma2 semaphore(%run_scoped3A_76 : memref<!tpu.dma_semaphore, #tpu.memory_space<semaphore_mem>>) src(%dma_wait3A_92 : memref<128xi32, #tpu.memory_space<hbm>>) dst(%dma_wait3A_91 : memref<128xi32, #tpu.memory_space<vmem>>)
      tpu.yield
    }) : () -> ()
    %add3A_11 = arith.constant 384 : i32
    %add3A_12 = arith.addi %mul3A_2, %add3A_11 : i32
    %run_scoped3A_13 = arith.constant 3 : i32
    "tpu.region"() ({
      %run_scoped3A_76 = tpu.sem_alloc : memref<!tpu.dma_semaphore, #tpu.memory_space<semaphore_mem>>
      %dma_start3A_77 = arith.constant 0 : i32
      %dma_start3A_78 = tpu.memref_slice %arg5[%run_scoped3A_13, %dma_start3A_77] : memref<4x128xi32, #tpu.memory_space<vmem>> -> memref<1x128xi32, #tpu.memory_space<vmem>>
      %dma_start3A_79 = tpu.memref_squeeze %dma_start3A_78 : memref<1x128xi32, #tpu.memory_space<vmem>> -> memref<128xi32, #tpu.memory_space<vmem>>
      %dma_start3A_80 = tpu.memref_slice %arg3[%add3A_12] : memref<16384xi32, #tpu.memory_space<hbm>> -> memref<128xi32, #tpu.memory_space<hbm>>
      %dma_start3A_81 = arith.constant 0 : i32
      %dma_start3A_82 = tpu.memref_slice %arg5[%run_scoped3A_13, %dma_start3A_81] : memref<4x128xi32, #tpu.memory_space<vmem>> -> memref<1x128xi32, #tpu.memory_space<vmem>>
      %dma_start3A_83 = tpu.memref_squeeze %dma_start3A_82 : memref<1x128xi32, #tpu.memory_space<vmem>> -> memref<128xi32, #tpu.memory_space<vmem>>
      %dma_start3A_84 = tpu.memref_slice %arg3[%add3A_12] : memref<16384xi32, #tpu.memory_space<hbm>> -> memref<128xi32, #tpu.memory_space<hbm>>
      tpu.enqueue_dma source(%dma_start3A_84 : memref<128xi32, #tpu.memory_space<hbm>>) target(%dma_start3A_83 : memref<128xi32, #tpu.memory_space<vmem>>) target_semaphore(%run_scoped3A_76 : memref<!tpu.dma_semaphore, #tpu.memory_space<semaphore_mem>>)
      %dma_wait3A_85 = arith.constant 0 : i32
      %dma_wait3A_86 = tpu.memref_slice %arg5[%run_scoped3A_13, %dma_wait3A_85] : memref<4x128xi32, #tpu.memory_space<vmem>> -> memref<1x128xi32, #tpu.memory_space<vmem>>
      %dma_wait3A_87 = tpu.memref_squeeze %dma_wait3A_86 : memref<1x128xi32, #tpu.memory_space<vmem>> -> memref<128xi32, #tpu.memory_space<vmem>>
      %dma_wait3A_88 = tpu.memref_slice %arg3[%add3A_12] : memref<16384xi32, #tpu.memory_space<hbm>> -> memref<128xi32, #tpu.memory_space<hbm>>
      %dma_wait3A_89 = arith.constant 0 : i32
      %dma_wait3A_90 = tpu.memref_slice %arg5[%run_scoped3A_13, %dma_wait3A_89] : memref<4x128xi32, #tpu.memory_space<vmem>> -> memref<1x128xi32, #tpu.memory_space<vmem>>
      %dma_wait3A_91 = tpu.memref_squeeze %dma_wait3A_90 : memref<1x128xi32, #tpu.memory_space<vmem>> -> memref<128xi32, #tpu.memory_space<vmem>>
      %dma_wait3A_92 = tpu.memref_slice %arg3[%add3A_12] : memref<16384xi32, #tpu.memory_space<hbm>> -> memref<128xi32, #tpu.memory_space<hbm>>
      tpu.wait_dma2 semaphore(%run_scoped3A_76 : memref<!tpu.dma_semaphore, #tpu.memory_space<semaphore_mem>>) src(%dma_wait3A_92 : memref<128xi32, #tpu.memory_space<hbm>>) dst(%dma_wait3A_91 : memref<128xi32, #tpu.memory_space<vmem>>)
      tpu.yield
    }) : () -> ()
    %dma_start3A = arith.constant 0 : i32
    %dma_start3A_14 = arith.constant 0 : i32
    %dma_start3A_15 = tpu.memref_slice %arg6[%dma_start3A_14] : memref<512xf32, #tpu.memory_space<vmem>> -> memref<128xf32, #tpu.memory_space<vmem>>
    %dma_start3A_16 = arith.constant 0 : i32
    %dma_start3A_17 = tpu.memref_slice %arg5[%dma_start3A, %dma_start3A_16] : memref<4x128xi32, #tpu.memory_space<vmem>> -> memref<1x128xi32, #tpu.memory_space<vmem>>
    %dma_start3A_18 = tpu.memref_squeeze %dma_start3A_17 : memref<1x128xi32, #tpu.memory_space<vmem>> -> memref<128xi32, #tpu.memory_space<vmem>>
    %dma_start3A_19 = arith.constant 0 : i32
    %dma_start3A_20 = tpu.memref_slice %arg2[%dma_start3A_19] : memref<1000000xf32, #tpu.memory_space<hbm>> -> memref<1000000xf32, #tpu.memory_space<hbm>>
    tpu.enqueue_indirect_dma source(%dma_start3A_20 : memref<1000000xf32, #tpu.memory_space<hbm>>) target(%dma_start3A_15 : memref<128xf32, #tpu.memory_space<vmem>>) offsets(%dma_start3A_18 : memref<128xi32, #tpu.memory_space<vmem>>) semaphore(%arg7 : memref<!tpu.dma_semaphore, #tpu.memory_space<semaphore_mem>>)
    %dma_start3A_21 = arith.constant 1 : i32
    %dma_start3A_22 = arith.constant 128 : i32
    %dma_start3A_23 = tpu.memref_slice %arg6[%dma_start3A_22] : memref<512xf32, #tpu.memory_space<vmem>> -> memref<128xf32, #tpu.memory_space<vmem>>
    %dma_start3A_24 = arith.constant 0 : i32
    %dma_start3A_25 = tpu.memref_slice %arg5[%dma_start3A_21, %dma_start3A_24] : memref<4x128xi32, #tpu.memory_space<vmem>> -> memref<1x128xi32, #tpu.memory_space<vmem>>
    %dma_start3A_26 = tpu.memref_squeeze %dma_start3A_25 : memref<1x128xi32, #tpu.memory_space<vmem>> -> memref<128xi32, #tpu.memory_space<vmem>>
    %dma_start3A_27 = arith.constant 0 : i32
    %dma_start3A_28 = tpu.memref_slice %arg2[%dma_start3A_27] : memref<1000000xf32, #tpu.memory_space<hbm>> -> memref<1000000xf32, #tpu.memory_space<hbm>>
    tpu.enqueue_indirect_dma source(%dma_start3A_28 : memref<1000000xf32, #tpu.memory_space<hbm>>) target(%dma_start3A_23 : memref<128xf32, #tpu.memory_space<vmem>>) offsets(%dma_start3A_26 : memref<128xi32, #tpu.memory_space<vmem>>) semaphore(%arg7 : memref<!tpu.dma_semaphore, #tpu.memory_space<semaphore_mem>>)
    %dma_start3A_29 = arith.constant 2 : i32
    %dma_start3A_30 = arith.constant 256 : i32
    %dma_start3A_31 = tpu.memref_slice %arg6[%dma_start3A_30] : memref<512xf32, #tpu.memory_space<vmem>> -> memref<128xf32, #tpu.memory_space<vmem>>
    %dma_start3A_32 = arith.constant 0 : i32
    %dma_start3A_33 = tpu.memref_slice %arg5[%dma_start3A_29, %dma_start3A_32] : memref<4x128xi32, #tpu.memory_space<vmem>> -> memref<1x128xi32, #tpu.memory_space<vmem>>
    %dma_start3A_34 = tpu.memref_squeeze %dma_start3A_33 : memref<1x128xi32, #tpu.memory_space<vmem>> -> memref<128xi32, #tpu.memory_space<vmem>>
    %dma_start3A_35 = arith.constant 0 : i32
    %dma_start3A_36 = tpu.memref_slice %arg2[%dma_start3A_35] : memref<1000000xf32, #tpu.memory_space<hbm>> -> memref<1000000xf32, #tpu.memory_space<hbm>>
    tpu.enqueue_indirect_dma source(%dma_start3A_36 : memref<1000000xf32, #tpu.memory_space<hbm>>) target(%dma_start3A_31 : memref<128xf32, #tpu.memory_space<vmem>>) offsets(%dma_start3A_34 : memref<128xi32, #tpu.memory_space<vmem>>) semaphore(%arg7 : memref<!tpu.dma_semaphore, #tpu.memory_space<semaphore_mem>>)
    %dma_start3A_37 = arith.constant 3 : i32
    %dma_start3A_38 = arith.constant 384 : i32
    %dma_start3A_39 = tpu.memref_slice %arg6[%dma_start3A_38] : memref<512xf32, #tpu.memory_space<vmem>> -> memref<128xf32, #tpu.memory_space<vmem>>
    %dma_start3A_40 = arith.constant 0 : i32
    %dma_start3A_41 = tpu.memref_slice %arg5[%dma_start3A_37, %dma_start3A_40] : memref<4x128xi32, #tpu.memory_space<vmem>> -> memref<1x128xi32, #tpu.memory_space<vmem>>
    %dma_start3A_42 = tpu.memref_squeeze %dma_start3A_41 : memref<1x128xi32, #tpu.memory_space<vmem>> -> memref<128xi32, #tpu.memory_space<vmem>>
    %dma_start3A_43 = arith.constant 0 : i32
    %dma_start3A_44 = tpu.memref_slice %arg2[%dma_start3A_43] : memref<1000000xf32, #tpu.memory_space<hbm>> -> memref<1000000xf32, #tpu.memory_space<hbm>>
    tpu.enqueue_indirect_dma source(%dma_start3A_44 : memref<1000000xf32, #tpu.memory_space<hbm>>) target(%dma_start3A_39 : memref<128xf32, #tpu.memory_space<vmem>>) offsets(%dma_start3A_42 : memref<128xi32, #tpu.memory_space<vmem>>) semaphore(%arg7 : memref<!tpu.dma_semaphore, #tpu.memory_space<semaphore_mem>>)
    %dma_wait3A = arith.constant 0 : i32
    %dma_wait3A_45 = arith.constant 0 : i32
    %dma_wait3A_46 = tpu.memref_slice %arg6[%dma_wait3A_45] : memref<512xf32, #tpu.memory_space<vmem>> -> memref<128xf32, #tpu.memory_space<vmem>>
    %dma_wait3A_47 = arith.constant 0 : i32
    %dma_wait3A_48 = tpu.memref_slice %arg5[%dma_wait3A, %dma_wait3A_47] : memref<4x128xi32, #tpu.memory_space<vmem>> -> memref<1x128xi32, #tpu.memory_space<vmem>>
    %dma_wait3A_49 = tpu.memref_squeeze %dma_wait3A_48 : memref<1x128xi32, #tpu.memory_space<vmem>> -> memref<128xi32, #tpu.memory_space<vmem>>
    %dma_wait3A_50 = arith.constant 0 : i32
    %dma_wait3A_51 = tpu.memref_slice %arg2[%dma_wait3A_50] : memref<1000000xf32, #tpu.memory_space<hbm>> -> memref<1000000xf32, #tpu.memory_space<hbm>>
    tpu.wait_indirect_dma semaphore(%arg7 : memref<!tpu.dma_semaphore, #tpu.memory_space<semaphore_mem>>) src(%dma_wait3A_51 : memref<1000000xf32, #tpu.memory_space<hbm>>) dst(%dma_wait3A_46 : memref<128xf32, #tpu.memory_space<vmem>>)
    %dma_wait3A_52 = arith.constant 1 : i32
    %dma_wait3A_53 = arith.constant 128 : i32
    %dma_wait3A_54 = tpu.memref_slice %arg6[%dma_wait3A_53] : memref<512xf32, #tpu.memory_space<vmem>> -> memref<128xf32, #tpu.memory_space<vmem>>
    %dma_wait3A_55 = arith.constant 0 : i32
    %dma_wait3A_56 = tpu.memref_slice %arg5[%dma_wait3A_52, %dma_wait3A_55] : memref<4x128xi32, #tpu.memory_space<vmem>> -> memref<1x128xi32, #tpu.memory_space<vmem>>
    %dma_wait3A_57 = tpu.memref_squeeze %dma_wait3A_56 : memref<1x128xi32, #tpu.memory_space<vmem>> -> memref<128xi32, #tpu.memory_space<vmem>>
    %dma_wait3A_58 = arith.constant 0 : i32
    %dma_wait3A_59 = tpu.memref_slice %arg2[%dma_wait3A_58] : memref<1000000xf32, #tpu.memory_space<hbm>> -> memref<1000000xf32, #tpu.memory_space<hbm>>
    tpu.wait_indirect_dma semaphore(%arg7 : memref<!tpu.dma_semaphore, #tpu.memory_space<semaphore_mem>>) src(%dma_wait3A_59 : memref<1000000xf32, #tpu.memory_space<hbm>>) dst(%dma_wait3A_54 : memref<128xf32, #tpu.memory_space<vmem>>)
    %dma_wait3A_60 = arith.constant 2 : i32
    %dma_wait3A_61 = arith.constant 256 : i32
    %dma_wait3A_62 = tpu.memref_slice %arg6[%dma_wait3A_61] : memref<512xf32, #tpu.memory_space<vmem>> -> memref<128xf32, #tpu.memory_space<vmem>>
    %dma_wait3A_63 = arith.constant 0 : i32
    %dma_wait3A_64 = tpu.memref_slice %arg5[%dma_wait3A_60, %dma_wait3A_63] : memref<4x128xi32, #tpu.memory_space<vmem>> -> memref<1x128xi32, #tpu.memory_space<vmem>>
    %dma_wait3A_65 = tpu.memref_squeeze %dma_wait3A_64 : memref<1x128xi32, #tpu.memory_space<vmem>> -> memref<128xi32, #tpu.memory_space<vmem>>
    %dma_wait3A_66 = arith.constant 0 : i32
    %dma_wait3A_67 = tpu.memref_slice %arg2[%dma_wait3A_66] : memref<1000000xf32, #tpu.memory_space<hbm>> -> memref<1000000xf32, #tpu.memory_space<hbm>>
    tpu.wait_indirect_dma semaphore(%arg7 : memref<!tpu.dma_semaphore, #tpu.memory_space<semaphore_mem>>) src(%dma_wait3A_67 : memref<1000000xf32, #tpu.memory_space<hbm>>) dst(%dma_wait3A_62 : memref<128xf32, #tpu.memory_space<vmem>>)
    %dma_wait3A_68 = arith.constant 3 : i32
    %dma_wait3A_69 = arith.constant 384 : i32
    %dma_wait3A_70 = tpu.memref_slice %arg6[%dma_wait3A_69] : memref<512xf32, #tpu.memory_space<vmem>> -> memref<128xf32, #tpu.memory_space<vmem>>
    %dma_wait3A_71 = arith.constant 0 : i32
    %dma_wait3A_72 = tpu.memref_slice %arg5[%dma_wait3A_68, %dma_wait3A_71] : memref<4x128xi32, #tpu.memory_space<vmem>> -> memref<1x128xi32, #tpu.memory_space<vmem>>
    %dma_wait3A_73 = tpu.memref_squeeze %dma_wait3A_72 : memref<1x128xi32, #tpu.memory_space<vmem>> -> memref<128xi32, #tpu.memory_space<vmem>>
    %dma_wait3A_74 = arith.constant 0 : i32
    %dma_wait3A_75 = tpu.memref_slice %arg2[%dma_wait3A_74] : memref<1000000xf32, #tpu.memory_space<hbm>> -> memref<1000000xf32, #tpu.memory_space<hbm>>
    tpu.wait_indirect_dma semaphore(%arg7 : memref<!tpu.dma_semaphore, #tpu.memory_space<semaphore_mem>>) src(%dma_wait3A_75 : memref<1000000xf32, #tpu.memory_space<hbm>>) dst(%dma_wait3A_70 : memref<128xf32, #tpu.memory_space<vmem>>)
    "tpu.region"() ({
      %run_scoped3A_76 = tpu.sem_alloc : memref<!tpu.dma_semaphore, #tpu.memory_space<semaphore_mem>>
      %dma_start3A_77 = tpu.memref_slice %arg4[%mul3A_2] : memref<16384xf32, #tpu.memory_space<hbm>> -> memref<512xf32, #tpu.memory_space<hbm>>
      %dma_start3A_78 = tpu.memref_slice %arg4[%mul3A_2] : memref<16384xf32, #tpu.memory_space<hbm>> -> memref<512xf32, #tpu.memory_space<hbm>>
      tpu.enqueue_dma source(%arg6 : memref<512xf32, #tpu.memory_space<vmem>>) target(%dma_start3A_78 : memref<512xf32, #tpu.memory_space<hbm>>) target_semaphore(%run_scoped3A_76 : memref<!tpu.dma_semaphore, #tpu.memory_space<semaphore_mem>>)
      %dma_wait3A_79 = tpu.memref_slice %arg4[%mul3A_2] : memref<16384xf32, #tpu.memory_space<hbm>> -> memref<512xf32, #tpu.memory_space<hbm>>
      %dma_wait3A_80 = tpu.memref_slice %arg4[%mul3A_2] : memref<16384xf32, #tpu.memory_space<hbm>> -> memref<512xf32, #tpu.memory_space<hbm>>
      tpu.wait_dma2 semaphore(%run_scoped3A_76 : memref<!tpu.dma_semaphore, #tpu.memory_space<semaphore_mem>>) src(%arg6 : memref<512xf32, #tpu.memory_space<vmem>>) dst(%dma_wait3A_80 : memref<512xf32, #tpu.memory_space<hbm>>)
      tpu.yield
    }) : () -> ()
    return
  }
}

module attributes {stable_mosaic.version = 14 : i64} {
  func.func @_colsum_body(%arg0: i32, %arg1: memref<64x32768xf32, #tpu.memory_space<vmem>>, %arg2: memref<32768xf32, #tpu.memory_space<vmem>>) attributes {dimension_semantics = [#tpu.dimension_semantics<arbitrary>], iteration_bounds = array<i64: 31>, scalar_prefetch = 0 : i64, scratch_operands = 0 : i64, tpu.core_type = #tpu.core_type<tc>, window_params = [{transform_indices = @transform_0, window_bounds = array<i64: 64, 32768>}, {transform_indices = @transform_1, window_bounds = array<i64: 32768>}]} {
    %get3A = arith.constant 0 : index
    %get3A_0 = arith.constant 0 : index
    %get3A_1 = vector.load %arg1[%get3A, %get3A_0] : memref<64x32768xf32, #tpu.memory_space<vmem>>, vector<64x32768xf32>
    %reduce_sum3A = arith.constant dense<0.000000e+00> : vector<32768xf32>
    %reduce_sum3A_2 = vector.multi_reduction <add>, %get3A_1, %reduce_sum3A [0] : vector<64x32768xf32> to vector<32768xf32>
    %neg3A = arith.constant 0.000000e+00 : f32
    %neg3A_3 = vector.broadcast %neg3A : f32 to vector<32768xf32>
    %neg3A_4 = arith.subf %neg3A_3, %reduce_sum3A_2 : vector<32768xf32>
    %swap3A = arith.constant 0 : index
    %swap3A_5 = vector.load %arg2[%swap3A] : memref<32768xf32, #tpu.memory_space<vmem>>, vector<32768xf32>
    tpu.vector_store %arg2[%swap3A], %neg3A_4 {strides = array<i32>} : memref<32768xf32, #tpu.memory_space<vmem>>, vector<32768xf32>,
    return
  }
  func.func @transform_0(%arg0: i32) -> (i32, i32) {
    %c0_i32 = arith.constant 0 : i32
    %c0_i32_0 = arith.constant 0 : i32
    return %c0_i32, %arg0 : i32, i32
  }
  func.func @transform_1(%arg0: i32) -> i32 {
    %c0_i32 = arith.constant 0 : i32
    return %arg0 : i32
  }
}

</mosaic_0001>

<sc_bundles>
// kernel: _score.4.cloned.1.call-start
scs
__scs_entry_jumppad:
0x0: {  	(pc) =	sbr.rel $0x88, $3  }
0x1: {  	(tag) =	ssettag $0x0;
	lr =	simm.s32 $0x1  }
0x2: {  	[smem:$0x3F9F] =	sst lr;
	_ =	strace $0xD0000000  }
0x3: {  	_ = 	snop  }
0x4: {  	_ = 	snop  }
0x5: {  	_ = 	snop  }
0x6: {  	_ = 	snop  }
0x7: {  	_ = 	snop  }
__scs_overlays_trampoline_lowered:
0x8: {  	[smem:$0x3FAE] =	sst s0  }
0x9: {  	[smem:$0x3FAF] =	sst s1  }
0xa: {  	[smem:$0x3FB0] =	sst s2  }
0xb: {  	[smem:$0x3FB1] =	sst s3  }
0xc: {  	[smem:$0x3FB2] =	sst s4  }
0xd: {  	[smem:$0x3FB3] =	sst s5  }
0xe: {  	[smem:$0x3FB4] =	sst s6  }
0xf: {  	[smem:$0x3FB5] =	sst s7  }
0x10: {  	[smem:$0x3FB6] =	sst s8  }
0x11: {  	[smem:$0x3FB7] =	sst s9;
	s0 =	simm.s32 @!p0 $0x0  }
0x12: {  	s1 =	sld [smem:$0x3F9D];
	s0 =	simm.s32 @p0 $0x1  }
0x13: {  	[smem:$0x3FB8] =	sst s0;
	s0 =	simm.s32 @!p1 $0x0  }
0x14: {  	s2 =	sld [smem:$0x3F9C];
	s0 =	simm.s32 @p1 $0x1  }
0x15: {  	[smem:$0x3FB9] =	sst s0;
	s0 =	simm.s32 @!p2 $0x0  }
0x16: {  	s3 =	sld [smem:$0x3FDB];
	s0 =	simm.s32 @p2 $0x1  }
0x17: {  	s4 =	simm.s32 $0x1BF5;
	[smem:$0x3FBB] =	sst s0  }
0x18: {  	s0 =	sld [smem:$0x3F9E];
	_ =	swait.ge [sflag:s4], $0x0  }
0x19: {  	s7 =	sld [smem:$0x3F9F]  }
0x1a: {  	s8 =	sadd.s32 $0xFFFFE003, lr  }
0x1b: {  	s9 =	sadd.s32 $0xFFFFFEF7, lr;
	s5 =	simm.s32 $0xFFFFFFFF;
	p2 =	slt.u32 s8, $0xFFFFF086  }
0x1c: {  	p1 =	slt.u32 s9, $0xF7A;
	s5 =	simm.s32 @!p2 $0x0  }
0x1d: {  	s5 =	simm.s32 @p1 $0x1;
	p0 =	seq.s32 s7, s2  }
0x1e: {  	s7 =	smul.u32 @!p0 $0xF7A, s2;
	p2 =	seq.s32 @!p0 s5, $0x0  }
0x1f: {  	s9 =	smul.u32 $0xF7A, s1;
	s8 =	simm.s32 @!p0 $0x1BF5;
	p2 =	por !p2, p0  }
0x20: {  	[sflag:s8] =	ssyncset.s32 @!p0 $0xFFFFF086;
	s6 =	sadd.s32 @!p0 s3, s7;
	s7 =	simm.s32 @!p0 $0x108  }
0x21: {  	s3 =	sadd.s32 s3, s9;
	s6 =	sadd.s32 @!p0 $0x88, s6;
	s7 =	simm.s32 @p2 $0x1082  }
0x22: {  	[simem:s7], [sflag:s8] =	dma.local @!p0 [hbm:s6], $0xF7A  }
0x23: {  	s9 =	sor.u32 $0xD0000000, s2;
	s6 =	simm.s32 $0x108;
	_ =	swait.ge @!p0 [sflag:s8], $0x0  }
0x24: {  	s3 =	sadd.s32 $0x88, s3;
	s6 =	simm.s32 @!p1 $0x1082;
	[sflag:s4] =	ssyncset.s32 $0xFFFFF086  }
0x25: {  	[simem:s6], [sflag:s4] =	dma.local [hbm:s3], $0xF7A  }
0x26: {  	[smem:$0x3F9F] =	sst s1;
	(tag) =	ssettag s2;
	_ =	strace s9  }
0x27: {  	s1 =	sld [smem:$0x3FAF]  }
0x28: {  	s2 =	sld [smem:$0x3FB0]  }
0x29: {  	s4 =	sld [smem:$0x3FB2]  }
0x2a: {  	p0 =	seq.s32 s5, $0x0;
	s5 =	sld [smem:$0x3FB3]  }
0x2b: {  	s6 =	sld [smem:$0x3FB4]  }
0x2c: {  	s7 =	sld [smem:$0x3FB5]  }
0x2d: {  	s3 =	simm.s32 $0x108;
	s8 =	sld [smem:$0x3FB6]  }
0x2e: {  	s3 =	simm.s32 @!p0 $0x1082;
	s9 =	sld [smem:$0x3FB7]  }
0x2f: {  	lr =	sadd.s32 s0, s3;
	s0 =	sld [smem:$0x3FAE]  }
0x30: {  	s3 =	sld [smem:$0x3FB1]  }
0x31: {  	[smem:$0x3FBA] =	sst s10  }
0x32: {  	s10 =	sld [smem:$0x3FB8];
	_ =	sdelay $0x3  }
0x33: {  	p0 =	seq.s32 s10, $0x1;
	s10 =	sld [smem:$0x3FBA];
	_ =	sdelay $0x3  }
0x34: {  	[smem:$0x3FBA] =	sst s10  }
0x35: {  	s10 =	sld [smem:$0x3FB9];
	_ =	sdelay $0x3  }
0x36: {  	p1 =	seq.s32 s10, $0x1;
	s10 =	sld [smem:$0x3FBA];
	_ =	sdelay $0x3  }
0x37: {  	[smem:$0x3FBA] =	sst s10  }
0x38: {  	s10 =	sld [smem:$0x3FBB]  }
0x39: {  	_ = 	snop;
	(pc) =	sbr.ind lr, $3  }
0x3a: {  	_ = 	snop  }
0x3b: {  	_ = 	snop  }
0x3c: {  	p2 =	seq.s32 s10, $0x1;
	s10 =	sld [smem:$0x3FBA]  }
0x3d: {  	_ =	shalt  }
0x3e: {  	_ =	shalt  }
0x3f: {  	_ =	shalt  }
0x40: {  	_ =	shalt  }
0x41: {  	_ =	shalt  }
0x42: {  	_ =	shalt  }
0x43: {  	_ =	shalt  }
0x44: {  	_ =	shalt  }
0x45: {  	_ =	shalt  }
0x46: {  	_ =	shalt  }
0x47: {  	_ =	shalt  }
0x48: {  	_ =	shalt  }
0x49: {  	_ =	shalt  }
0x4a: {  	_ =	shalt  }
0x4b: {  	_ =	shalt  }
0x4c: {  	_ =	shalt  }
0x4d: {  	_ =	shalt  }
0x4e: {  	_ =	shalt  }
0x4f: {  	_ =	shalt  }
0x50: {  	_ =	shalt  }
0x51: {  	_ =	shalt  }
0x52: {  	_ =	shalt  }
0x53: {  	_ =	shalt  }
0x54: {  	_ =	shalt  }
0x55: {  	_ =	shalt  }
0x56: {  	_ =	shalt  }
0x57: {  	_ =	shalt  }
0x58: {  	_ =	shalt  }
0x59: {  	_ =	shalt  }
0x5a: {  	_ =	shalt  }
0x5b: {  	_ =	shalt  }
0x5c: {  	_ =	shalt  }
0x5d: {  	_ =	shalt  }
0x5e: {  	_ =	shalt  }
0x5f: {  	_ =	shalt  }
0x60: {  	_ =	shalt  }
0x61: {  	_ =	shalt  }
0x62: {  	_ =	shalt  }
0x63: {  	_ =	shalt  }
0x64: {  	_ =	shalt  }
0x65: {  	_ =	shalt  }
0x66: {  	_ =	shalt  }
0x67: {  	_ =	shalt  }
0x68: {  	_ =	shalt  }
0x69: {  	_ =	shalt  }
0x6a: {  	_ =	shalt  }
0x6b: {  	_ =	shalt  }
0x6c: {  	_ =	shalt  }
0x6d: {  	_ =	shalt  }
0x6e: {  	_ =	shalt  }
0x6f: {  	_ =	shalt  }
0x70: {  	_ =	shalt  }
0x71: {  	_ =	shalt  }
0x72: {  	_ =	shalt  }
0x73: {  	_ =	shalt  }
0x74: {  	_ =	shalt  }
0x75: {  	_ =	shalt  }
0x76: {  	_ =	shalt  }
0x77: {  	_ =	shalt  }
0x78: {  	_ =	shalt  }
0x79: {  	_ =	shalt  }
0x7a: {  	_ =	shalt  }
0x7b: {  	_ =	shalt  }
0x7c: {  	_ =	shalt  }
0x7d: {  	_ =	shalt  }
0x7e: {  	_ =	shalt  }
0x7f: {  	_ =	shalt  }
0x80: {  	_ =	shalt  }
0x81: {  	_ =	shalt  }
0x82: {  	_ =	shalt  }
0x83: {  	_ =	shalt  }
0x84: {  	_ =	shalt  }
0x85: {  	_ =	shalt  }
0x86: {  	_ =	shalt  }
0x87: {  	_ =	shalt  }
.Lfunc_end0:
.L_simem_size_0:
called_computation_lowered:
.L_overlay_start_0:
0x88: {  	s2 =	sld [smem:$0x3FD9]  }
0x89: {  	s3 =	sld [smem:$0x3FFE];
	_ =	sdelay $0x1  }
0x8a: {  	s1 =	srdreg.scid  }
0x8b: {  	s0 =	sand.u32 $0x1, s1  }
0x8c: {  	s17 =	sshll.u32 s0, $0xA;
	s2 =	sadd.s32 s3, s2  }
0x8d: {  	s2 =	sadd.s32 s2, s17  }
0x8e: {  	[smem:$0x3FC6] =	sst s2  }
0x8f: {  	_ = 	snop  }
0x90: {  	s2 =	sld [smem:$0x3FC8]  }
0x91: {  	s18 =	sld [smem:$0x3FD0];
	(tm) =	ssettm $0x1  }
0x92: {  	s4 =	sld [smem:$0x3FFB];
	_ =	sdelay $0x3  }
0x93: {  	_ =	strace s4  }
0x94: {  	s4 =	sld [smem:$0x3FFC];
	_ =	sdelay $0x3  }
0x95: {  	_ =	strace s4  }
0x96: {  	s4 =	sld [smem:$0x3FFD];
	_ =	sdelay $0x3  }
0x97: {  	_ =	strace s4  }
0x98: {  	_ =	strace $0x8FFFFFFF  }
0x99: {  	s19 =	sld [smem:$0x3FDB];
	_ =	sdelay $0x1  }
0x9a: {  	s5 =	simm.s32 $_scs_section_size  }
0x9b: {  	s6 =	simm.s32 $_size__tile_overlayer_lowered;
	s7 =	simm.s32 $_tile_overlayer_lowered  }
0x9c: {  	s22 =	simm.s32 $0x1BFF;
	s21 =	sshll.u32 s7, $0x1;
	s4 =	sadd.s32 s5, s19  }
0x9d: {  	s8 =	simm.s32 $0x0;
	s20 =	sshll.u32 s6, $0x1;
	s6 =	sadd.s32 s21, s4  }
0x9e: {  	[timem:s8], [sflag:s22] =	dma.local [hbm:s6], s20  }
0x9f: {  	_ =	swait.ge [sflag:s22], s20  }
0xa0: {  	s5 =	ssub.s32 $0x0, s20;
	[sflag:s22] =	ssyncset.done $0x0  }
0xa1: {  	[sflag:s22] =	ssyncadd.s32 s5;
	_ =	sdelay $0x1  }
0xa2: {  	s23 =	simm.s32 $0x1B8B  }
0xa3: {  	_ =	swait.ge [sflag:s23], $0x1  }
0xa4: {  	[sflag:s23] =	ssyncset.done $0x0  }
0xa5: {  	s25 =	simm.s32 $0x1B8E;
	s24 =	sld [smem:$0x3FFE];
	[sflag:s23] =	ssyncadd.s32 $0xFFFFFFFF  }
0xa6: {  	s26 =	simm.s32 $execute0_lowered;
	[smem:$0x3FD2] =	sst s25  }
0xa7: {  	s6 =	sshll.u32 s26, $0x1;
	_ =	strace $0x80000046;
	[dreg:$0x1] =	wrdreg $0xFFFFFFFF  }
0xa8: {  	s28 =	simm.s32 $_size_execute0_lowered;
	s4 =	sadd.s32 s4, s6;
	[dreg:$0x0] =	wrdreg $0x0  }
0xa9: {  	s6 =	sshll.u32 s28, $0x1;
	[dreg:$0x2] =	wrdreg s4  }
0xaa: {  	[dreg:$0x3] =	wrdreg s6  }
0xab: {  	[dreg:$0x4] =	wrdreg $0xC0  }
0xac: {  	_ =	task [dreg:s8], $0x5FFFF  }
0xad: {  	[dreg:$0x1] =	wrdreg $0xFFFFFFFF  }
0xae: {  	[dreg:$0x0] =	wrdreg $0x60  }
0xaf: {  	[dreg:$0x2] =	wrdreg s24  }
0xb0: {  	[dreg:$0x3] =	wrdreg s2  }
0xb1: {  	[dreg:$0x4] =	wrdreg s18  }
0xb2: {  	[dreg:$0x5] =	wrdreg $0x9  }
0xb3: {  	_ =	task.clear_ibuf [dreg:s8], $0x6FFFF;
	_ =	strace $0x90000046  }
0xb4: {  	s29 =	simm.s32 $0x9;
	_ =	strace $0x80000048  }
0xb5: {  	_ =	swait.ge [sflag:s29], $0x1  }
0xb6: {  	[sflag:s29] =	ssyncadd.s32 $0xFFFFFFFF  }
0xb7: {  	_ =	strace $0x90000048  }
0xb8: {  	_ =	sfence  }
0xb9: {  	s30 =	sld [smem:$0x0];
	_ =	sdelay $0x2  }
0xba: {  	s31 =	sshll.u32 s1, $0xD;
	s1 =	sshrl.u32 s1, $0x2  }
0xbb: {  	s3 =	sand.u32 $0x4000, s31;
	s1 =	sadd.s32 s1, s30  }
0xbc: {  	s0 =	sor.u32 s3, s0;
	s1 =	sshll.u32 s1, $0x11  }
0xbd: {  	s0 =	sor.u32 s1, s0  }
0xbe: {  	s0 =	sadd.s32 $0x8F2B, s0  }
0xbf: {  	[sflag:s0] =	ssyncadd.remote.s32 $0x1  }
0xc0: {  	_ =	sfence.sel $0xFFFF  }
0xc1: {  	[dreg:$0x0] =	wrdreg $0xFFFFFFFF;
	(pc) =	sbr.abs _section_cstart, $3  }
0xc2: {  	[dreg:$0x1] =	wrdreg $0xFFFFFFFF  }
0xc3: {  	_ =	task.clear_ibuf [dreg:s8], $0x2FFFF;
	_ =	strace $0x9FFFFFFF  }
0xc4: {  	(tm) =	ssettm $0x7FFFFFFF  }
0xc5: {  	_ =	shalt  }
tec
execute0_lowered:
.L_overlay_start_1:
0x0: {  	(tag) =	ssettag $0x1  }
0x1: {  	s11 =	rddreg [dreg:$0x0]  }
0x2: {  	s3 =	rddreg [dreg:$0x1]  }
0x3: {  	s17 =	rddreg [dreg:$0x2];
	s2 =	srdreg.scid  }
0x4: {  	s0 =	rddreg [dreg:$0x3];
	s1 =	stileid.u32;
	s18 =	sand.u32 $0x1, s2  }
0x5: {  	s2 =	simm.s32 $0x0;
	s4 =	sshll.u32 s1, $0x7;
	s5 =	sshll.u32 s18, $0x6  }
0x6: {  	[smem:$0x7FF] =	sst s2;
	s19 =	sor.u32 s5, s4  }
0x7: {  	_ =	strace $0x80000047;
	s4 =	sadd.s32 s3, s19;
	s3 =	simm.s32 $0x2  }
0x8: {  	[tilespmem:s2], [sflag:$0x2] =	stream.linear.gather [hbm4b:s4+s2], $0x80, $0x38;
	[tilespmem:$0x400] =	vst v63  }
0x9: {  	_ =	swait.ge [sflag:s3], $0x80  }
0xa: {  	[sflag:s3] =	ssyncset.done $0x0  }
0xb: {  	s6 =	simm.s32 $0x80;
	s5 =	sadd.s32 $0x10, s4;
	[sflag:s3] =	ssyncadd.s32 $0xFFFFFF80  }
0xc: {  	[tilespmem:s6], [sflag:$0x2] =	stream.linear.gather [hbm4b:s5+s2], $0x80, $0x38;
	[tilespmem:$0x400] =	vst v63  }
0xd: {  	_ =	swait.ge [sflag:s3], $0x80  }
0xe: {  	[sflag:s3] =	ssyncset.done $0x0  }
0xf: {  	s8 =	simm.s32 $0x100;
	s7 =	sadd.s32 $0x20, s4;
	[sflag:s3] =	ssyncadd.s32 $0xFFFFFF80  }
0x10: {  	[tilespmem:s8], [sflag:$0x2] =	stream.linear.gather [hbm4b:s7+s2], $0x80, $0x38;
	[tilespmem:$0x400] =	vst v63  }
0x11: {  	_ =	swait.ge [sflag:s3], $0x80  }
0x12: {  	[sflag:s3] =	ssyncset.done $0x0  }
0x13: {  	s10 =	simm.s32 $0x180;
	s9 =	sadd.s32 $0x30, s4;
	[sflag:s3] =	ssyncadd.s32 $0xFFFFFF80  }
0x14: {  	[tilespmem:s10], [sflag:$0x2] =	stream.linear.gather [hbm4b:s9+s2], $0x80, $0x38;
	[tilespmem:$0x400] =	vst v63  }
0x15: {  	_ =	swait.ge [sflag:s3], $0x80  }
0x16: {  	[sflag:s3] =	ssyncset.done $0x0  }
0x17: {  	s12 =	simm.s32 $0x200;
	s11 =	sadd.s32 $0x600, s11;
	[sflag:s3] =	ssyncadd.s32 $0xFFFFFF80  }
0x18: {  	[tilespmem:s12], [sflag:$0x1] =	stream.indirect.gather [hbm4b:s11+s6], $0x1, s2, s6, $0xb8;
	[tilespmem:$0x400] =	vst v63  }
0x19: {  	s13 =	simm.s32 $0x280  }
0x1a: {  	[tilespmem:s13], [sflag:$0x1] =	stream.indirect.gather [hbm4b:s11+s6], $0x1, s6, s6, $0xb8;
	[tilespmem:$0x400] =	vst v63  }
0x1b: {  	s14 =	simm.s32 $0x300  }
0x1c: {  	[tilespmem:s14], [sflag:$0x1] =	stream.indirect.gather [hbm4b:s11+s6], $0x1, s8, s6, $0xb8;
	[tilespmem:$0x400] =	vst v63  }
0x1d: {  	s15 =	simm.s32 $0x380;
	s16 =	simm.s32 $0x1  }
0x1e: {  	[tilespmem:s15], [sflag:$0x1] =	stream.indirect.gather [hbm4b:s11+s6], $0x1, s10, s6, $0xb8;
	[tilespmem:$0x400] =	vst v63  }
0x1f: {  	_ =	swait.ge [sflag:s16], $0x80  }
0x20: {  	[sflag:s16] =	ssyncset.done $0x0  }
0x21: {  	[sflag:s16] =	ssyncadd.s32 $0xFFFFFF80  }
0x22: {  	_ =	swait.ge [sflag:s16], $0x80  }
0x23: {  	[sflag:s16] =	ssyncset.done $0x0  }
0x24: {  	s18 =	ssub.s32 $0x2, s18;
	[sflag:s16] =	ssyncadd.s32 $0xFFFFFF80  }
0x25: {  	s20 =	sshrl.u32 s18, $0x1;
	_ =	swait.ge [sflag:s16], $0x80  }
0x26: {  	s18 =	ssub.s32 s18, s20;
	[sflag:s16] =	ssyncset.done $0x0  }
0x27: {  	s18 =	smax.u32 s18, $0x1;
	[sflag:s16] =	ssyncadd.s32 $0xFFFFFF80  }
0x28: {  	p0 =	sne.s32 s18, $0x1;
	_ =	swait.ge [sflag:s16], $0x80  }
.Ltmp0:
0x29: {  	[sflag:s16] =	ssyncset.done $0x0;
	(pc) =	sbr.rel @!p0 .LBB2_2-.Ltmp0, $4  }
0x2a: {  	s17 =	sadd.s32 s17, s19;
	[sflag:s16] =	ssyncadd.s32 $0xFFFFFF80  }
0x2b: {  	[hbm4b:s17+s2] =	stream.linear.scatter [tilespmem:s12], [sflag:$0x2], $0x200, $0x38;
	[tilespmem:$0x400] =	vst v63  }
0x2c: {  	_ =	swait.ge [sflag:s3], $0x200  }
0x2d: {  	s18 =	sadd.s32 $0xFFFFFFFF, s18;
	[sflag:s3] =	ssyncset.done $0x0  }
.LBB2_1:
0x2e: {  	p0 =	sne.s32 s18, $0x1;
	s18 =	sadd.s32 $0xFFFFFFFF, s18;
	[sflag:s3] =	ssyncadd.s32 $0xFFFFFE00  }
0x2f: {  	[tilespmem:s2], [sflag:$0x2] =	stream.linear.gather [hbm4b:s4+s2], $0x80, $0x38;
	[tilespmem:$0x400] =	vst v63  }
0x30: {  	_ =	swait.ge [sflag:s3], $0x80  }
0x31: {  	[sflag:s3] =	ssyncset.done $0x0  }
0x32: {  	[sflag:s3] =	ssyncadd.s32 $0xFFFFFF80  }
0x33: {  	[tilespmem:s6], [sflag:$0x2] =	stream.linear.gather [hbm4b:s5+s2], $0x80, $0x38;
	[tilespmem:$0x400] =	vst v63  }
0x34: {  	_ =	swait.ge [sflag:s3], $0x80  }
0x35: {  	[sflag:s3] =	ssyncset.done $0x0  }
0x36: {  	[sflag:s3] =	ssyncadd.s32 $0xFFFFFF80  }
0x37: {  	[tilespmem:s8], [sflag:$0x2] =	stream.linear.gather [hbm4b:s7+s2], $0x80, $0x38;
	[tilespmem:$0x400] =	vst v63  }
0x38: {  	_ =	swait.ge [sflag:s3], $0x80  }
0x39: {  	[sflag:s3] =	ssyncset.done $0x0  }
0x3a: {  	[sflag:s3] =	ssyncadd.s32 $0xFFFFFF80  }
0x3b: {  	[tilespmem:s10], [sflag:$0x2] =	stream.linear.gather [hbm4b:s9+s2], $0x80, $0x38;
	[tilespmem:$0x400] =	vst v63  }
0x3c: {  	_ =	swait.ge [sflag:s3], $0x80  }
0x3d: {  	[sflag:s3] =	ssyncset.done $0x0  }
0x3e: {  	[sflag:s3] =	ssyncadd.s32 $0xFFFFFF80  }
0x3f: {  	[tilespmem:s12], [sflag:$0x1] =	stream.indirect.gather [hbm4b:s11+s6], $0x1, s2, s6, $0xb8;
	[tilespmem:$0x400] =	vst v63  }
0x40: {  	_ = 	snop  }
0x41: {  	[tilespmem:s13], [sflag:$0x1] =	stream.indirect.gather [hbm4b:s11+s6], $0x1, s6, s6, $0xb8;
	[tilespmem:$0x400] =	vst v63  }
0x42: {  	_ = 	snop  }
0x43: {  	[tilespmem:s14], [sflag:$0x1] =	stream.indirect.gather [hbm4b:s11+s6], $0x1, s8, s6, $0xb8;
	[tilespmem:$0x400] =	vst v63  }
0x44: {  	_ = 	snop  }
0x45: {  	[tilespmem:s15], [sflag:$0x1] =	stream.indirect.gather [hbm4b:s11+s6], $0x1, s10, s6, $0xb8;
	[tilespmem:$0x400] =	vst v63  }
0x46: {  	_ =	swait.ge [sflag:s16], $0x80  }
0x47: {  	[sflag:s16] =	ssyncset.done $0x0  }
0x48: {  	[sflag:s16] =	ssyncadd.s32 $0xFFFFFF80  }
0x49: {  	_ =	swait.ge [sflag:s16], $0x80  }
0x4a: {  	[sflag:s16] =	ssyncset.done $0x0  }
0x4b: {  	[sflag:s16] =	ssyncadd.s32 $0xFFFFFF80  }
0x4c: {  	_ =	swait.ge [sflag:s16], $0x80  }
0x4d: {  	[sflag:s16] =	ssyncset.done $0x0  }
0x4e: {  	[sflag:s16] =	ssyncadd.s32 $0xFFFFFF80  }
0x4f: {  	_ =	swait.ge [sflag:s16], $0x80  }
.Ltmp1:
0x50: {  	[sflag:s16] =	ssyncset.done $0x0;
	(pc) =	sbr.rel @p0 .LBB2_1-.Ltmp1, $4  }
0x51: {  	[sflag:s16] =	ssyncadd.s32 $0xFFFFFF80  }
0x52: {  	[hbm4b:s17+s2] =	stream.linear.scatter [tilespmem:s12], [sflag:$0x2], $0x200, $0x38;
	[tilespmem:$0x400] =	vst v63  }
0x53: {  	_ =	swait.ge [sflag:s3], $0x200  }
0x54: {  	[sflag:s3] =	ssyncset.done $0x0  }
.LBB2_2:
0x55: {  	[sflag:s3] =	ssyncadd.s32 $0xFFFFFE00  }
0x56: {  	_ =	sfence.sel $0x180000  }
0x57: {  	[bflag:$0x0] =	sbarrier.arrive $0xFFFF  }
0x58: {  	p0 =	sne.s32 s1, $0x0;
	_ =	strace $0x90000047  }
0x59: {  	s0 =	sadd.s32 @!p0 $0x100000, s0;
	[bflag:$0x2] =	sbarrier.arrive $0xFFFF  }
0x5a: {  	[sflag:s0] =	ssyncadd.tile.s32 @!p0 $0x1;
	_ =	shalt  }
.Lfunc_end2:
_tile_overlayer_lowered:
.L_overlay_start_2:
0x5b: {  	(tag) =	ssettag $0x2  }
0x5c: {  	s0 =	rddreg [dreg:$0x0];
	s2 =	stileid.u32  }
0x5d: {  	s1 =	rddreg [dreg:$0x1];
	p0 =	sne.s32 s2, $0x0  }
0x5e: {  	s3 =	rddreg [dreg:$0x2];
	[bflag:$0x3] =	sbarrier.arrive $0xFFFF;
	s2 =	simm.s32 @!p0 $0x1C02  }
0x5f: {  	[timem:s3], [sflag:s2] =	dma.local @!p0 [hbm:s0], s1  }
0x60: {  	s0 =	simm.s32 @!p0 $0x2  }
0x61: {  	_ =	swait.ge @!p0 [sflag:s0], s1  }
0x62: {  	s1 =	ssub.s32 @!p0 $0x0, s1;
	[sflag:s0] =	ssyncset.done @!p0 $0x0  }
0x63: {  	[sflag:s0] =	ssyncadd.s32 @!p0 s1  }
0x64: {  	[bflag:$0x3] =	sbarrier.arrive $0xFFFF  }
0x65: {  	_ =	shalt  }

</sc_bundles>
